<compile_context>
chip_gen: v7x
topology: tpu7x:2x2x1
jax: 0.10.2.dev20260603
libtpu: 0.0.44.dev20260713+nightly
codegen_flags: <defaults>
</compile_context>

<pallas_src>
import functools

import jax
import jax.numpy as jnp
from jax import lax
from jax.experimental import pallas as pl
from jax.experimental.pallas import tpu as pltpu
from jax.experimental.pallas import tpu_sc as plsc

_NUM_CORES = 1
_NUM_SUBCORES = 16
_NUM_WORKERS = _NUM_CORES * _NUM_SUBCORES
_LANES = 16

_NUM_EVENTS = 1969
_BATCH = 16384
_D_OUT = 5
_D_PAD = 8
_B_PER_W = _BATCH // _NUM_WORKERS


def _project_body(ev_ref, w_ref, b_ref, out_ref):
    t = (
        jnp.dot(ev_ref[...], w_ref[...], preferred_element_type=jnp.float32)
        + b_ref[...]
    )
    out_ref[...] = jnp.pad(t, ((0, 0), (0, _D_PAD - _D_OUT)))


def _project(events, w, b2d):
    return pl.pallas_call(
        _project_body,
        out_shape=jax.ShapeDtypeStruct((_NUM_EVENTS, _D_PAD), jnp.float32),
    )(events, w, b2d)


_sc_mesh = plsc.VectorSubcoreMesh(
    core_axis_name="c",
    subcore_axis_name="s",
    num_cores=_NUM_CORES,
    num_subcores=_NUM_SUBCORES,
)


@functools.partial(
    pl.kernel,
    out_type=jax.ShapeDtypeStruct((_D_OUT * _BATCH,), jnp.float32),
    mesh=_sc_mesh,
    scratch_types=[
        pltpu.VMEM((_B_PER_W,), jnp.int32),
        pltpu.VMEM((_B_PER_W, _D_PAD), jnp.float32),
        [pltpu.VMEM((_B_PER_W,), jnp.float32) for _ in range(_D_OUT)],
        pltpu.SemaphoreType.DMA,
    ],
    compiler_params=pltpu.CompilerParams(
        use_tc_tiling_on_sc=False, needs_layout_passes=False
    ),
)
def _gather_rows(table_hbm, idx_hbm, out_hbm, idx_v, rows_v, tcol, sem):
    wid = lax.axis_index("s") * _NUM_CORES + lax.axis_index("c")
    base = wid * _B_PER_W
    pltpu.sync_copy(idx_hbm.at[pl.ds(base, _B_PER_W)], idx_v)
    pltpu.async_copy(table_hbm.at[idx_v], rows_v, sem).wait()
    lanes = lax.iota(jnp.int32, _LANES)
    csplat = [lanes * 0 + c for c in range(_D_OUT)]

    @plsc.parallel_loop(0, _B_PER_W, step=_LANES)
    def _transpose_block(i):
        rows = lanes + i
        for c in range(_D_OUT):
            tcol[c][pl.ds(i, _LANES)] = plsc.load_gather(
                rows_v, [rows, csplat[c]]
            )

    handles = [
        pltpu.async_copy(
            tcol[c], out_hbm.at[pl.ds(c * _BATCH + base, _B_PER_W)], sem
        )
        for c in range(_D_OUT)
    ]
    for h in handles:
        h.wait()


def kernel(days_index, events, W, b):
    table = _project(events, W, b.reshape(1, _D_OUT))
    flat = _gather_rows(table, days_index)
    return flat.reshape(_D_OUT, _BATCH).T

# --- scband reference (transcript-rebuilt; emitter-appended) ---
"""Pipeline reference for scband-events-56633438765328 (READ-ONLY COPY).

The authoritative reference and input builder live on the scoring server;
editing this copy changes nothing except your own understanding.
"""

import jax, jax.numpy as jnp
import numpy as np


def setup_inputs(seed: int = 0) -> dict:
    key = jax.random.key(seed)
    k1, k2, k3, k4 = jax.random.split(key, 4)
    # Learned / loaded parameters
    events = jax.random.normal(k1, (1969, 31), dtype=jnp.float32)
    W = jax.random.normal(k3, (31, 5), dtype=jnp.float32) * 0.1  # Dense(5) kernel
    b = jnp.zeros((5,), dtype=jnp.float32)                        # Dense(5) bias
    # Forward input: days_index, values in [0, 1969)
    days_index = jax.random.randint(k2, (16384,), 0, 1969, dtype=jnp.int32)
    return {"days_index": days_index, "events": events, "W": W, "b": b}


def reference(days_index, events, W, b):
    # events = tf.gather(self.events, days_index)
    gathered = jnp.take(events, days_index, axis=0)  # [d, 31]
    # events = self.dense(events)
    out = gathered @ W + b                           # [d, 5]
    return out

if __name__ == "__main__":
    import jax
    _d = setup_inputs()
    print(jax.jit(kernel)(*tuple(_d.values())))

</pallas_src>

<mosaic_0001>
#map = affine_map<(d0, d1) -> (0, 0)>
#map1 = affine_map<(d0, d1) -> (0)>
module attributes {stable_mosaic.version = 14 : i64} {
  func.func @_gather_rows(%arg0: i32, %arg1: i32, %arg2: memref<1969x8xf32, #tpu.memory_space<hbm>>, %arg3: memref<16384xi32, #tpu.memory_space<hbm>>, %arg4: memref<81920xf32, #tpu.memory_space<hbm>>, %arg5: memref<1024xi32, #tpu.memory_space<vmem>>, %arg6: memref<1024x8xf32, #tpu.memory_space<vmem>>, %arg7: memref<1024xf32, #tpu.memory_space<vmem>>, %arg8: memref<1024xf32, #tpu.memory_space<vmem>>, %arg9: memref<1024xf32, #tpu.memory_space<vmem>>, %arg10: memref<1024xf32, #tpu.memory_space<vmem>>, %arg11: memref<1024xf32, #tpu.memory_space<vmem>>, %arg12: memref<!tpu.dma_semaphore, #tpu.memory_space<semaphore_mem>>) attributes {dimension_semantics = [#tpu.dimension_semantics<core_parallel>, #tpu.dimension_semantics<subcore_parallel>], iteration_bounds = array<i64: 1, 16>, scalar_prefetch = 0 : i64, scratch_operands = 8 : i64, tpu.core_type = #tpu.core_type<sc_vector_subcore>, window_params = [{transform_indices = #map}, {transform_indices = #map1}, {transform_indices = #map1}]} {
    %mul3A = arith.constant 1 : i32
    %mul3A_0 = arith.muli %arg1, %mul3A : i32
    %add3A = arith.addi %mul3A_0, %arg0 : i32
    %mul3A_1 = arith.constant 1024 : i32
    %mul3A_2 = arith.muli %add3A, %mul3A_1 : i32
    "tpu.region"() ({
      %run_scoped3A = tpu.sem_alloc : memref<!tpu.dma_semaphore, #tpu.memory_space<semaphore_mem>>
      %dma_start3A_69 = tpu.memref_slice %arg3[%mul3A_2] : memref<16384xi32, #tpu.memory_space<hbm>> -> memref<1024xi32, #tpu.memory_space<hbm>>
      %dma_start3A_70 = tpu.memref_slice %arg3[%mul3A_2] : memref<16384xi32, #tpu.memory_space<hbm>> -> memref<1024xi32, #tpu.memory_space<hbm>>
      tpu.enqueue_dma source(%dma_start3A_70 : memref<1024xi32, #tpu.memory_space<hbm>>) target(%arg5 : memref<1024xi32, #tpu.memory_space<vmem>>) target_semaphore(%run_scoped3A : memref<!tpu.dma_semaphore, #tpu.memory_space<semaphore_mem>>)
      %dma_wait3A_71 = tpu.memref_slice %arg3[%mul3A_2] : memref<16384xi32, #tpu.memory_space<hbm>> -> memref<1024xi32, #tpu.memory_space<hbm>>
      %dma_wait3A_72 = tpu.memref_slice %arg3[%mul3A_2] : memref<16384xi32, #tpu.memory_space<hbm>> -> memref<1024xi32, #tpu.memory_space<hbm>>
      tpu.wait_dma2 semaphore(%run_scoped3A : memref<!tpu.dma_semaphore, #tpu.memory_space<semaphore_mem>>) src(%dma_wait3A_72 : memref<1024xi32, #tpu.memory_space<hbm>>) dst(%arg5 : memref<1024xi32, #tpu.memory_space<vmem>>)
      tpu.yield
    }) : () -> ()
    %dma_start3A = arith.constant 0 : i32
    %dma_start3A_3 = arith.constant 0 : i32
    %dma_start3A_4 = tpu.memref_slice %arg2[%dma_start3A, %dma_start3A_3] : memref<1969x8xf32, #tpu.memory_space<hbm>> -> memref<1969x8xf32, #tpu.memory_space<hbm>>
    tpu.enqueue_indirect_dma source(%dma_start3A_4 : memref<1969x8xf32, #tpu.memory_space<hbm>>) target(%arg6 : memref<1024x8xf32, #tpu.memory_space<vmem>>) offsets(%arg5 : memref<1024xi32, #tpu.memory_space<vmem>>) semaphore(%arg12 : memref<!tpu.dma_semaphore, #tpu.memory_space<semaphore_mem>>)
    %dma_wait3A = arith.constant 0 : i32
    %dma_wait3A_5 = arith.constant 0 : i32
    %dma_wait3A_6 = tpu.memref_slice %arg2[%dma_wait3A, %dma_wait3A_5] : memref<1969x8xf32, #tpu.memory_space<hbm>> -> memref<1969x8xf32, #tpu.memory_space<hbm>>
    tpu.wait_indirect_dma semaphore(%arg12 : memref<!tpu.dma_semaphore, #tpu.memory_space<semaphore_mem>>) src(%dma_wait3A_6 : memref<1969x8xf32, #tpu.memory_space<hbm>>) dst(%arg6 : memref<1024x8xf32, #tpu.memory_space<vmem>>)
    %iota3A = tpu.iota {dimensions = array<i32: 0>} : vector<16xi32>
    %mul3A_7 = arith.constant 0 : i32
    %mul3A_8 = vector.broadcast %mul3A_7 : i32 to vector<16xi32>
    %mul3A_9 = arith.muli %iota3A, %mul3A_8 : vector<16xi32>
    %add3A_10 = arith.constant 0 : i32
    %add3A_11 = vector.broadcast %add3A_10 : i32 to vector<16xi32>
    %add3A_12 = arith.addi %mul3A_9, %add3A_11 : vector<16xi32>
    %mul3A_13 = arith.constant 0 : i32
    %mul3A_14 = vector.broadcast %mul3A_13 : i32 to vector<16xi32>
    %mul3A_15 = arith.muli %iota3A, %mul3A_14 : vector<16xi32>
    %add3A_16 = arith.constant 1 : i32
    %add3A_17 = vector.broadcast %add3A_16 : i32 to vector<16xi32>
    %add3A_18 = arith.addi %mul3A_15, %add3A_17 : vector<16xi32>
    %mul3A_19 = arith.constant 0 : i32
    %mul3A_20 = vector.broadcast %mul3A_19 : i32 to vector<16xi32>
    %mul3A_21 = arith.muli %iota3A, %mul3A_20 : vector<16xi32>
    %add3A_22 = arith.constant 2 : i32
    %add3A_23 = vector.broadcast %add3A_22 : i32 to vector<16xi32>
    %add3A_24 = arith.addi %mul3A_21, %add3A_23 : vector<16xi32>
    %mul3A_25 = arith.constant 0 : i32
    %mul3A_26 = vector.broadcast %mul3A_25 : i32 to vector<16xi32>
    %mul3A_27 = arith.muli %iota3A, %mul3A_26 : vector<16xi32>
    %add3A_28 = arith.constant 3 : i32
    %add3A_29 = vector.broadcast %add3A_28 : i32 to vector<16xi32>
    %add3A_30 = arith.addi %mul3A_27, %add3A_29 : vector<16xi32>
    %mul3A_31 = arith.constant 0 : i32
    %mul3A_32 = vector.broadcast %mul3A_31 : i32 to vector<16xi32>
    %mul3A_33 = arith.muli %iota3A, %mul3A_32 : vector<16xi32>
    %add3A_34 = arith.constant 4 : i32
    %add3A_35 = vector.broadcast %add3A_34 : i32 to vector<16xi32>
    %add3A_36 = arith.addi %mul3A_33, %add3A_35 : vector<16xi32>
    %parallel_loop3A = arith.constant 0 : i32
    %parallel_loop3A_37 = arith.constant 1024 : i32
    %parallel_loop3A_38 = arith.constant 16 : i32
    scf.for %parallel_loop3A_69 = %parallel_loop3A to %parallel_loop3A_37 step %parallel_loop3A_38  : i32 {
      %parallel_loop3A_70 = vector.broadcast %parallel_loop3A_69 : i32 to vector<16xi32>
      %parallel_loop3A_71 = arith.addi %iota3A, %parallel_loop3A_70 : vector<16xi32>
      %parallel_loop3A_72 = tpu.vector_load_idx %arg6[%parallel_loop3A_71, %add3A_12] : memref<1024x8xf32, #tpu.memory_space<vmem>>[vector<16xi32>, vector<16xi32>], vector<16xf32>,
      %parallel_loop3A_73 = arith.index_cast %parallel_loop3A_69 : i32 to index
      %parallel_loop3A_74 = tpu.vector_load %arg7[%parallel_loop3A_73] {strides = array<i32>} : memref<1024xf32, #tpu.memory_space<vmem>>, vector<16xf32>,
      tpu.vector_store %arg7[%parallel_loop3A_73], %parallel_loop3A_72 {strides = array<i32>} : memref<1024xf32, #tpu.memory_space<vmem>>, vector<16xf32>,
      %parallel_loop3A_75 = tpu.vector_load_idx %arg6[%parallel_loop3A_71, %add3A_18] : memref<1024x8xf32, #tpu.memory_space<vmem>>[vector<16xi32>, vector<16xi32>], vector<16xf32>,
      %parallel_loop3A_76 = arith.index_cast %parallel_loop3A_69 : i32 to index
      %parallel_loop3A_77 = tpu.vector_load %arg8[%parallel_loop3A_76] {strides = array<i32>} : memref<1024xf32, #tpu.memory_space<vmem>>, vector<16xf32>,
      tpu.vector_store %arg8[%parallel_loop3A_76], %parallel_loop3A_75 {strides = array<i32>} : memref<1024xf32, #tpu.memory_space<vmem>>, vector<16xf32>,
      %parallel_loop3A_78 = tpu.vector_load_idx %arg6[%parallel_loop3A_71, %add3A_24] : memref<1024x8xf32, #tpu.memory_space<vmem>>[vector<16xi32>, vector<16xi32>], vector<16xf32>,
      %parallel_loop3A_79 = arith.index_cast %parallel_loop3A_69 : i32 to index
      %parallel_loop3A_80 = tpu.vector_load %arg9[%parallel_loop3A_79] {strides = array<i32>} : memref<1024xf32, #tpu.memory_space<vmem>>, vector<16xf32>,
      tpu.vector_store %arg9[%parallel_loop3A_79], %parallel_loop3A_78 {strides = array<i32>} : memref<1024xf32, #tpu.memory_space<vmem>>, vector<16xf32>,
      %parallel_loop3A_81 = tpu.vector_load_idx %arg6[%parallel_loop3A_71, %add3A_30] : memref<1024x8xf32, #tpu.memory_space<vmem>>[vector<16xi32>, vector<16xi32>], vector<16xf32>,
      %parallel_loop3A_82 = arith.index_cast %parallel_loop3A_69 : i32 to index
      %parallel_loop3A_83 = tpu.vector_load %arg10[%parallel_loop3A_82] {strides = array<i32>} : memref<1024xf32, #tpu.memory_space<vmem>>, vector<16xf32>,
      tpu.vector_store %arg10[%parallel_loop3A_82], %parallel_loop3A_81 {strides = array<i32>} : memref<1024xf32, #tpu.memory_space<vmem>>, vector<16xf32>,
      %parallel_loop3A_84 = tpu.vector_load_idx %arg6[%parallel_loop3A_71, %add3A_36] : memref<1024x8xf32, #tpu.memory_space<vmem>>[vector<16xi32>, vector<16xi32>], vector<16xf32>,
      %parallel_loop3A_85 = arith.index_cast %parallel_loop3A_69 : i32 to index
      %parallel_loop3A_86 = tpu.vector_load %arg11[%parallel_loop3A_85] {strides = array<i32>} : memref<1024xf32, #tpu.memory_space<vmem>>, vector<16xf32>,
      tpu.vector_store %arg11[%parallel_loop3A_85], %parallel_loop3A_84 {strides = array<i32>} : memref<1024xf32, #tpu.memory_space<vmem>>, vector<16xf32>,
    } {sc.loop_unroll_factor = 1 : i64, sc.parallel_access}
    %add3A_39 = arith.constant 0 : i32
    %add3A_40 = arith.addi %add3A_39, %mul3A_2 : i32
    %dma_start3A_41 = tpu.memref_slice %arg4[%add3A_40] : memref<81920xf32, #tpu.memory_space<hbm>> -> memref<1024xf32, #tpu.memory_space<hbm>>
    %dma_start3A_42 = tpu.memref_slice %arg4[%add3A_40] : memref<81920xf32, #tpu.memory_space<hbm>> -> memref<1024xf32, #tpu.memory_space<hbm>>
    tpu.enqueue_dma source(%arg7 : memref<1024xf32, #tpu.memory_space<vmem>>) target(%dma_start3A_42 : memref<1024xf32, #tpu.memory_space<hbm>>) target_semaphore(%arg12 : memref<!tpu.dma_semaphore, #tpu.memory_space<semaphore_mem>>)
    %add3A_43 = arith.constant 16384 : i32
    %add3A_44 = arith.addi %add3A_43, %mul3A_2 : i32
    %dma_start3A_45 = tpu.memref_slice %arg4[%add3A_44] : memref<81920xf32, #tpu.memory_space<hbm>> -> memref<1024xf32, #tpu.memory_space<hbm>>
    %dma_start3A_46 = tpu.memref_slice %arg4[%add3A_44] : memref<81920xf32, #tpu.memory_space<hbm>> -> memref<1024xf32, #tpu.memory_space<hbm>>
    tpu.enqueue_dma source(%arg8 : memref<1024xf32, #tpu.memory_space<vmem>>) target(%dma_start3A_46 : memref<1024xf32, #tpu.memory_space<hbm>>) target_semaphore(%arg12 : memref<!tpu.dma_semaphore, #tpu.memory_space<semaphore_mem>>)
    %add3A_47 = arith.constant 32768 : i32
    %add3A_48 = arith.addi %add3A_47, %mul3A_2 : i32
    %dma_start3A_49 = tpu.memref_slice %arg4[%add3A_48] : memref<81920xf32, #tpu.memory_space<hbm>> -> memref<1024xf32, #tpu.memory_space<hbm>>
    %dma_start3A_50 = tpu.memref_slice %arg4[%add3A_48] : memref<81920xf32, #tpu.memory_space<hbm>> -> memref<1024xf32, #tpu.memory_space<hbm>>
    tpu.enqueue_dma source(%arg9 : memref<1024xf32, #tpu.memory_space<vmem>>) target(%dma_start3A_50 : memref<1024xf32, #tpu.memory_space<hbm>>) target_semaphore(%arg12 : memref<!tpu.dma_semaphore, #tpu.memory_space<semaphore_mem>>)
    %add3A_51 = arith.constant 49152 : i32
    %add3A_52 = arith.addi %add3A_51, %mul3A_2 : i32
    %dma_start3A_53 = tpu.memref_slice %arg4[%add3A_52] : memref<81920xf32, #tpu.memory_space<hbm>> -> memref<1024xf32, #tpu.memory_space<hbm>>
    %dma_start3A_54 = tpu.memref_slice %arg4[%add3A_52] : memref<81920xf32, #tpu.memory_space<hbm>> -> memref<1024xf32, #tpu.memory_space<hbm>>
    tpu.enqueue_dma source(%arg10 : memref<1024xf32, #tpu.memory_space<vmem>>) target(%dma_start3A_54 : memref<1024xf32, #tpu.memory_space<hbm>>) target_semaphore(%arg12 : memref<!tpu.dma_semaphore, #tpu.memory_space<semaphore_mem>>)
    %add3A_55 = arith.constant 65536 : i32
    %add3A_56 = arith.addi %add3A_55, %mul3A_2 : i32
    %dma_start3A_57 = tpu.memref_slice %arg4[%add3A_56] : memref<81920xf32, #tpu.memory_space<hbm>> -> memref<1024xf32, #tpu.memory_space<hbm>>
    %dma_start3A_58 = tpu.memref_slice %arg4[%add3A_56] : memref<81920xf32, #tpu.memory_space<hbm>> -> memref<1024xf32, #tpu.memory_space<hbm>>
    tpu.enqueue_dma source(%arg11 : memref<1024xf32, #tpu.memory_space<vmem>>) target(%dma_start3A_58 : memref<1024xf32, #tpu.memory_space<hbm>>) target_semaphore(%arg12 : memref<!tpu.dma_semaphore, #tpu.memory_space<semaphore_mem>>)
    %dma_wait3A_59 = tpu.memref_slice %arg4[%add3A_40] : memref<81920xf32, #tpu.memory_space<hbm>> -> memref<1024xf32, #tpu.memory_space<hbm>>
    %dma_wait3A_60 = tpu.memref_slice %arg4[%add3A_40] : memref<81920xf32, #tpu.memory_space<hbm>> -> memref<1024xf32, #tpu.memory_space<hbm>>
    tpu.wait_dma2 semaphore(%arg12 : memref<!tpu.dma_semaphore, #tpu.memory_space<semaphore_mem>>) src(%arg7 : memref<1024xf32, #tpu.memory_space<vmem>>) dst(%dma_wait3A_60 : memref<1024xf32, #tpu.memory_space<hbm>>)
    %dma_wait3A_61 = tpu.memref_slice %arg4[%add3A_44] : memref<81920xf32, #tpu.memory_space<hbm>> -> memref<1024xf32, #tpu.memory_space<hbm>>
    %dma_wait3A_62 = tpu.memref_slice %arg4[%add3A_44] : memref<81920xf32, #tpu.memory_space<hbm>> -> memref<1024xf32, #tpu.memory_space<hbm>>
    tpu.wait_dma2 semaphore(%arg12 : memref<!tpu.dma_semaphore, #tpu.memory_space<semaphore_mem>>) src(%arg8 : memref<1024xf32, #tpu.memory_space<vmem>>) dst(%dma_wait3A_62 : memref<1024xf32, #tpu.memory_space<hbm>>)
    %dma_wait3A_63 = tpu.memref_slice %arg4[%add3A_48] : memref<81920xf32, #tpu.memory_space<hbm>> -> memref<1024xf32, #tpu.memory_space<hbm>>
    %dma_wait3A_64 = tpu.memref_slice %arg4[%add3A_48] : memref<81920xf32, #tpu.memory_space<hbm>> -> memref<1024xf32, #tpu.memory_space<hbm>>
    tpu.wait_dma2 semaphore(%arg12 : memref<!tpu.dma_semaphore, #tpu.memory_space<semaphore_mem>>) src(%arg9 : memref<1024xf32, #tpu.memory_space<vmem>>) dst(%dma_wait3A_64 : memref<1024xf32, #tpu.memory_space<hbm>>)
    %dma_wait3A_65 = tpu.memref_slice %arg4[%add3A_52] : memref<81920xf32, #tpu.memory_space<hbm>> -> memref<1024xf32, #tpu.memory_space<hbm>>
    %dma_wait3A_66 = tpu.memref_slice %arg4[%add3A_52] : memref<81920xf32, #tpu.memory_space<hbm>> -> memref<1024xf32, #tpu.memory_space<hbm>>
    tpu.wait_dma2 semaphore(%arg12 : memref<!tpu.dma_semaphore, #tpu.memory_space<semaphore_mem>>) src(%arg10 : memref<1024xf32, #tpu.memory_space<vmem>>) dst(%dma_wait3A_66 : memref<1024xf32, #tpu.memory_space<hbm>>)
    %dma_wait3A_67 = tpu.memref_slice %arg4[%add3A_56] : memref<81920xf32, #tpu.memory_space<hbm>> -> memref<1024xf32, #tpu.memory_space<hbm>>
    %dma_wait3A_68 = tpu.memref_slice %arg4[%add3A_56] : memref<81920xf32, #tpu.memory_space<hbm>> -> memref<1024xf32, #tpu.memory_space<hbm>>
    tpu.wait_dma2 semaphore(%arg12 : memref<!tpu.dma_semaphore, #tpu.memory_space<semaphore_mem>>) src(%arg11 : memref<1024xf32, #tpu.memory_space<vmem>>) dst(%dma_wait3A_68 : memref<1024xf32, #tpu.memory_space<hbm>>)
    return
  }
}

module attributes {stable_mosaic.version = 14 : i64} {
  func.func @_project_body(%arg0: memref<1969x31xf32, #tpu.memory_space<vmem>>, %arg1: memref<31x5xf32, #tpu.memory_space<vmem>>, %arg2: memref<1x5xf32, #tpu.memory_space<vmem>>, %arg3: memref<1969x8xf32, #tpu.memory_space<vmem>>) attributes {dimension_semantics = [], scalar_prefetch = 0 : i64, scratch_operands = 0 : i64, tpu.core_type = #tpu.core_type<tc>} {
    %get3A = arith.constant 0 : index
    %get3A_0 = arith.constant 0 : index
    %get3A_1 = vector.load %arg0[%get3A, %get3A_0] : memref<1969x31xf32, #tpu.memory_space<vmem>>, vector<1969x31xf32>
    %get3A_2 = arith.constant 0 : index
    %get3A_3 = arith.constant 0 : index
    %get3A_4 = vector.load %arg1[%get3A_2, %get3A_3] : memref<31x5xf32, #tpu.memory_space<vmem>>, vector<31x5xf32>
    %dot_general3A = arith.constant dense<0.000000e+00> : vector<1969x5xf32>
    %dot_general3A_5 = tpu.matmul %get3A_1, %get3A_4, %dot_general3A {dimension_numbers = #tpu.dot_dimension_numbers<[1], [0], [0], [1], [0, 0, 1, 1], [], []>, transpose_lhs_hint = false} : vector<1969x31xf32>, vector<31x5xf32>, vector<1969x5xf32> -> vector<1969x5xf32>
    %get3A_6 = arith.constant 0 : index
    %get3A_7 = arith.constant 0 : index
    %get3A_8 = vector.load %arg2[%get3A_6, %get3A_7] : memref<1x5xf32, #tpu.memory_space<vmem>>, vector<1x5xf32>
    %add3A = vector.broadcast %get3A_8 : vector<1x5xf32> to vector<1969x5xf32>
    %add3A_9 = arith.addf %dot_general3A_5, %add3A : vector<1969x5xf32>
    %jit3A = arith.constant 0 : i32
    %convert_element_type3A = arith.sitofp %jit3A : i32 to f32
    %pad3A = vector.broadcast %convert_element_type3A : f32 to vector<1969x3xf32>
    %pad3A_10 = tpu.concatenate %add3A_9, %pad3A in 1 : vector<1969x5xf32>, vector<1969x3xf32> -> vector<1969x8xf32>
    %swap3A = arith.constant 0 : index
    %swap3A_11 = arith.constant 0 : index
    %swap3A_12 = vector.load %arg3[%swap3A, %swap3A_11] : memref<1969x8xf32, #tpu.memory_space<vmem>>, vector<1969x8xf32>
    tpu.vector_store %arg3[%swap3A, %swap3A_11], %pad3A_10 {strides = array<i32>} : memref<1969x8xf32, #tpu.memory_space<vmem>>, vector<1969x8xf32>,
    return
  }
}

</mosaic_0001>

<sc_bundles>
// kernel: kernel.4.cloned.1.call-start
scs
__scs_entry_jumppad:
0x0: {  	(pc) =	sbr.rel $0x88, $3  }
0x1: {  	(tag) =	ssettag $0x0;
	lr =	simm.s32 $0x1  }
0x2: {  	[smem:$0x3F9D] =	sst lr;
	_ =	strace $0xD0000000  }
0x3: {  	_ = 	snop  }
0x4: {  	_ = 	snop  }
0x5: {  	_ = 	snop  }
0x6: {  	_ = 	snop  }
0x7: {  	_ = 	snop  }
__scs_overlays_trampoline_lowered:
0x8: {  	[smem:$0x3FAC] =	sst s0  }
0x9: {  	[smem:$0x3FAD] =	sst s1  }
0xa: {  	[smem:$0x3FAE] =	sst s2  }
0xb: {  	[smem:$0x3FAF] =	sst s3  }
0xc: {  	[smem:$0x3FB0] =	sst s4  }
0xd: {  	[smem:$0x3FB1] =	sst s5  }
0xe: {  	[smem:$0x3FB2] =	sst s6  }
0xf: {  	[smem:$0x3FB3] =	sst s7  }
0x10: {  	[smem:$0x3FB4] =	sst s8  }
0x11: {  	[smem:$0x3FB5] =	sst s9;
	s0 =	simm.s32 @!p0 $0x0  }
0x12: {  	s1 =	sld [smem:$0x3F9B];
	s0 =	simm.s32 @p0 $0x1  }
0x13: {  	[smem:$0x3FB6] =	sst s0;
	s0 =	simm.s32 @!p1 $0x0  }
0x14: {  	s2 =	sld [smem:$0x3F9A];
	s0 =	simm.s32 @p1 $0x1  }
0x15: {  	[smem:$0x3FB7] =	sst s0;
	s0 =	simm.s32 @!p2 $0x0  }
0x16: {  	s3 =	sld [smem:$0x3FDB];
	s0 =	simm.s32 @p2 $0x1  }
0x17: {  	s4 =	simm.s32 $0x1BF5;
	[smem:$0x3FB9] =	sst s0  }
0x18: {  	s0 =	sld [smem:$0x3F9C];
	_ =	swait.ge [sflag:s4], $0x0  }
0x19: {  	s7 =	sld [smem:$0x3F9D]  }
0x1a: {  	s8 =	sadd.s32 $0xFFFFE003, lr  }
0x1b: {  	s9 =	sadd.s32 $0xFFFFFEF7, lr;
	s5 =	simm.s32 $0xFFFFFFFF;
	p2 =	slt.u32 s8, $0xFFFFF086  }
0x1c: {  	p1 =	slt.u32 s9, $0xF7A;
	s5 =	simm.s32 @!p2 $0x0  }
0x1d: {  	s5 =	simm.s32 @p1 $0x1;
	p0 =	seq.s32 s7, s2  }
0x1e: {  	s7 =	smul.u32 @!p0 $0xF7A, s2;
	p2 =	seq.s32 @!p0 s5, $0x0  }
0x1f: {  	s9 =	smul.u32 $0xF7A, s1;
	s8 =	simm.s32 @!p0 $0x1BF5;
	p2 =	por !p2, p0  }
0x20: {  	[sflag:s8] =	ssyncset.s32 @!p0 $0xFFFFF086;
	s6 =	sadd.s32 @!p0 s3, s7;
	s7 =	simm.s32 @!p0 $0x108  }
0x21: {  	s3 =	sadd.s32 s3, s9;
	s6 =	sadd.s32 @!p0 $0x88, s6;
	s7 =	simm.s32 @p2 $0x1082  }
0x22: {  	[simem:s7], [sflag:s8] =	dma.local @!p0 [hbm:s6], $0xF7A  }
0x23: {  	s9 =	sor.u32 $0xD0000000, s2;
	s6 =	simm.s32 $0x108;
	_ =	swait.ge @!p0 [sflag:s8], $0x0  }
0x24: {  	s3 =	sadd.s32 $0x88, s3;
	s6 =	simm.s32 @!p1 $0x1082;
	[sflag:s4] =	ssyncset.s32 $0xFFFFF086  }
0x25: {  	[simem:s6], [sflag:s4] =	dma.local [hbm:s3], $0xF7A  }
0x26: {  	[smem:$0x3F9D] =	sst s1;
	(tag) =	ssettag s2;
	_ =	strace s9  }
0x27: {  	s1 =	sld [smem:$0x3FAD]  }
0x28: {  	s2 =	sld [smem:$0x3FAE]  }
0x29: {  	s4 =	sld [smem:$0x3FB0]  }
0x2a: {  	p0 =	seq.s32 s5, $0x0;
	s5 =	sld [smem:$0x3FB1]  }
0x2b: {  	s6 =	sld [smem:$0x3FB2]  }
0x2c: {  	s7 =	sld [smem:$0x3FB3]  }
0x2d: {  	s3 =	simm.s32 $0x108;
	s8 =	sld [smem:$0x3FB4]  }
0x2e: {  	s3 =	simm.s32 @!p0 $0x1082;
	s9 =	sld [smem:$0x3FB5]  }
0x2f: {  	lr =	sadd.s32 s0, s3;
	s0 =	sld [smem:$0x3FAC]  }
0x30: {  	s3 =	sld [smem:$0x3FAF]  }
0x31: {  	[smem:$0x3FB8] =	sst s10  }
0x32: {  	s10 =	sld [smem:$0x3FB6];
	_ =	sdelay $0x3  }
0x33: {  	p0 =	seq.s32 s10, $0x1;
	s10 =	sld [smem:$0x3FB8];
	_ =	sdelay $0x3  }
0x34: {  	[smem:$0x3FB8] =	sst s10  }
0x35: {  	s10 =	sld [smem:$0x3FB7];
	_ =	sdelay $0x3  }
0x36: {  	p1 =	seq.s32 s10, $0x1;
	s10 =	sld [smem:$0x3FB8];
	_ =	sdelay $0x3  }
0x37: {  	[smem:$0x3FB8] =	sst s10  }
0x38: {  	s10 =	sld [smem:$0x3FB9]  }
0x39: {  	_ = 	snop;
	(pc) =	sbr.ind lr, $3  }
0x3a: {  	_ = 	snop  }
0x3b: {  	_ = 	snop  }
0x3c: {  	p2 =	seq.s32 s10, $0x1;
	s10 =	sld [smem:$0x3FB8]  }
0x3d: {  	_ =	shalt  }
0x3e: {  	_ =	shalt  }
0x3f: {  	_ =	shalt  }
0x40: {  	_ =	shalt  }
0x41: {  	_ =	shalt  }
0x42: {  	_ =	shalt  }
0x43: {  	_ =	shalt  }
0x44: {  	_ =	shalt  }
0x45: {  	_ =	shalt  }
0x46: {  	_ =	shalt  }
0x47: {  	_ =	shalt  }
0x48: {  	_ =	shalt  }
0x49: {  	_ =	shalt  }
0x4a: {  	_ =	shalt  }
0x4b: {  	_ =	shalt  }
0x4c: {  	_ =	shalt  }
0x4d: {  	_ =	shalt  }
0x4e: {  	_ =	shalt  }
0x4f: {  	_ =	shalt  }
0x50: {  	_ =	shalt  }
0x51: {  	_ =	shalt  }
0x52: {  	_ =	shalt  }
0x53: {  	_ =	shalt  }
0x54: {  	_ =	shalt  }
0x55: {  	_ =	shalt  }
0x56: {  	_ =	shalt  }
0x57: {  	_ =	shalt  }
0x58: {  	_ =	shalt  }
0x59: {  	_ =	shalt  }
0x5a: {  	_ =	shalt  }
0x5b: {  	_ =	shalt  }
0x5c: {  	_ =	shalt  }
0x5d: {  	_ =	shalt  }
0x5e: {  	_ =	shalt  }
0x5f: {  	_ =	shalt  }
0x60: {  	_ =	shalt  }
0x61: {  	_ =	shalt  }
0x62: {  	_ =	shalt  }
0x63: {  	_ =	shalt  }
0x64: {  	_ =	shalt  }
0x65: {  	_ =	shalt  }
0x66: {  	_ =	shalt  }
0x67: {  	_ =	shalt  }
0x68: {  	_ =	shalt  }
0x69: {  	_ =	shalt  }
0x6a: {  	_ =	shalt  }
0x6b: {  	_ =	shalt  }
0x6c: {  	_ =	shalt  }
0x6d: {  	_ =	shalt  }
0x6e: {  	_ =	shalt  }
0x6f: {  	_ =	shalt  }
0x70: {  	_ =	shalt  }
0x71: {  	_ =	shalt  }
0x72: {  	_ =	shalt  }
0x73: {  	_ =	shalt  }
0x74: {  	_ =	shalt  }
0x75: {  	_ =	shalt  }
0x76: {  	_ =	shalt  }
0x77: {  	_ =	shalt  }
0x78: {  	_ =	shalt  }
0x79: {  	_ =	shalt  }
0x7a: {  	_ =	shalt  }
0x7b: {  	_ =	shalt  }
0x7c: {  	_ =	shalt  }
0x7d: {  	_ =	shalt  }
0x7e: {  	_ =	shalt  }
0x7f: {  	_ =	shalt  }
0x80: {  	_ =	shalt  }
0x81: {  	_ =	shalt  }
0x82: {  	_ =	shalt  }
0x83: {  	_ =	shalt  }
0x84: {  	_ =	shalt  }
0x85: {  	_ =	shalt  }
0x86: {  	_ =	shalt  }
0x87: {  	_ =	shalt  }
.Lfunc_end0:
.L_simem_size_0:
called_computation_lowered:
.L_overlay_start_0:
0x88: {  	s0 =	sld [smem:$0x3FD9]  }
0x89: {  	s1 =	sld [smem:$0x3FFE];
	_ =	sdelay $0x3  }
0x8a: {  	s0 =	sadd.s32 s1, s0  }
0x8b: {  	[smem:$0x3FC4] =	sst s0  }
0x8c: {  	_ = 	snop  }
0x8d: {  	s0 =	sld [smem:$0x3FC9]  }
0x8e: {  	s16 =	sld [smem:$0x3FD0];
	(tm) =	ssettm $0x1  }
0x8f: {  	s2 =	sld [smem:$0x3FFB];
	_ =	sdelay $0x3  }
0x90: {  	_ =	strace s2  }
0x91: {  	s2 =	sld [smem:$0x3FFC];
	_ =	sdelay $0x3  }
0x92: {  	_ =	strace s2  }
0x93: {  	s2 =	sld [smem:$0x3FFD];
	_ =	sdelay $0x3  }
0x94: {  	_ =	strace s2  }
0x95: {  	_ =	strace $0x8FFFFFFF  }
0x96: {  	s17 =	sld [smem:$0x3FDB];
	_ =	sdelay $0x1  }
0x97: {  	s3 =	simm.s32 $_scs_section_size  }
0x98: {  	s4 =	simm.s32 $_size__tile_overlayer_lowered;
	s5 =	simm.s32 $_tile_overlayer_lowered  }
0x99: {  	s20 =	simm.s32 $0x1BFF;
	s19 =	sshll.u32 s5, $0x1;
	s2 =	sadd.s32 s3, s17  }
0x9a: {  	s6 =	simm.s32 $0x0;
	s18 =	sshll.u32 s4, $0x1;
	s4 =	sadd.s32 s19, s2  }
0x9b: {  	[timem:s6], [sflag:s20] =	dma.local [hbm:s4], s18  }
0x9c: {  	_ =	swait.ge [sflag:s20], s18  }
0x9d: {  	s3 =	ssub.s32 $0x0, s18;
	[sflag:s20] =	ssyncset.done $0x0  }
0x9e: {  	[sflag:s20] =	ssyncadd.s32 s3;
	_ =	sdelay $0x1  }
0x9f: {  	s21 =	simm.s32 $0x1B8B  }
0xa0: {  	_ =	swait.ge [sflag:s21], $0x1  }
0xa1: {  	[sflag:s21] =	ssyncset.done $0x0  }
0xa2: {  	s23 =	simm.s32 $0x1B8E;
	s22 =	sld [smem:$0x3FFE];
	[sflag:s21] =	ssyncadd.s32 $0xFFFFFFFF  }
0xa3: {  	s24 =	simm.s32 $execute0_lowered;
	[smem:$0x3FD2] =	sst s23  }
0xa4: {  	s4 =	sshll.u32 s24, $0x1;
	_ =	strace $0x80000046;
	[dreg:$0x1] =	wrdreg $0xFFFFFFFF  }
0xa5: {  	s25 =	simm.s32 $_size_execute0_lowered;
	s2 =	sadd.s32 s2, s4;
	[dreg:$0x0] =	wrdreg $0x0  }
0xa6: {  	s4 =	sshll.u32 s25, $0x1;
	[dreg:$0x2] =	wrdreg s2  }
0xa7: {  	[dreg:$0x3] =	wrdreg s4  }
0xa8: {  	[dreg:$0x4] =	wrdreg $0xC0  }
0xa9: {  	_ =	task [dreg:s6], $0x5FFFF  }
0xaa: {  	[dreg:$0x1] =	wrdreg $0xFFFFFFFF  }
0xab: {  	[dreg:$0x0] =	wrdreg $0x60  }
0xac: {  	[dreg:$0x2] =	wrdreg s16  }
0xad: {  	[dreg:$0x3] =	wrdreg s0  }
0xae: {  	[dreg:$0x4] =	wrdreg s22  }
0xaf: {  	[dreg:$0x5] =	wrdreg $0x9  }
0xb0: {  	_ =	task.clear_ibuf [dreg:s6], $0x6FFFF;
	_ =	strace $0x90000046  }
0xb1: {  	s26 =	simm.s32 $0x9;
	_ =	strace $0x80000048  }
0xb2: {  	_ =	swait.ge [sflag:s26], $0x1  }
0xb3: {  	[sflag:s26] =	ssyncadd.s32 $0xFFFFFFFF  }
0xb4: {  	_ =	strace $0x90000048  }
0xb5: {  	_ =	sfence  }
0xb6: {  	s28 =	sld [smem:$0x0];
	_ =	sdelay $0x1  }
0xb7: {  	s29 =	srdreg.scid  }
0xb8: {  	s30 =	sshll.u32 s29, $0xD;
	s31 =	sshrl.u32 s29, $0x2  }
0xb9: {  	s1 =	sand.u32 $0x1, s29;
	s2 =	sand.u32 $0x4000, s30;
	s0 =	sadd.s32 s31, s28  }
0xba: {  	s1 =	sor.u32 s2, s1;
	s0 =	sshll.u32 s0, $0x11  }
0xbb: {  	s0 =	sor.u32 s0, s1  }
0xbc: {  	s0 =	sadd.s32 $0x8F2B, s0  }
0xbd: {  	[sflag:s0] =	ssyncadd.remote.s32 $0x1  }
0xbe: {  	_ =	sfence.sel $0xFFFF  }
0xbf: {  	[dreg:$0x0] =	wrdreg $0xFFFFFFFF;
	(pc) =	sbr.abs _section_cstart, $3  }
0xc0: {  	[dreg:$0x1] =	wrdreg $0xFFFFFFFF  }
0xc1: {  	_ =	task.clear_ibuf [dreg:s6], $0x2FFFF;
	_ =	strace $0x9FFFFFFF  }
0xc2: {  	(tm) =	ssettm $0x7FFFFFFF  }
0xc3: {  	_ =	shalt  }
tec
execute0_lowered:
.L_overlay_start_1:
0x0: {  	(tag) =	ssettag $0x1  }
0x1: {  	s5 =	rddreg [dreg:$0x0]  }
0x2: {  	s3 =	rddreg [dreg:$0x1]  }
0x3: {  	s4 =	rddreg [dreg:$0x2]  }
0x4: {  	s0 =	rddreg [dreg:$0x3];
	s6 =	simm.s32 $0x0;
	s1 =	stileid.u32  }
0x5: {  	s9 =	simm.s32 $0x2;
	[smem:$0x7FF] =	sst s6;
	s2 =	sshll.u32 s1, $0x7  }
0x6: {  	s7 =	simm.s32 $0x0;
	_ =	strace $0x80000047;
	s3 =	sadd.s32 s3, s2  }
0x7: {  	v0 =	vlaneseq.u32;
	[tilespmem:s6], [sflag:$0x2] =	stream.linear.gather [hbm4b:s3+s6], $0x400, $0x38;
	[tilespmem:$0x3800] =	vst v63  }
0x8: {  	s10 =	simm.s32 $0x10;
	v1 =	vmul.u32 $0x8, v0;
	v0 =	vmov s7;
	_ =	swait.ge [sflag:s9], $0x400  }
0x9: {  	v2 =	vmov s10;
	v0 =	vshll.u32 v0, $0x3;
	[sflag:s9] =	ssyncset.done $0x0  }
0xa: {  	s11 =	simm.s32 $0x1;
	s3 =	simm.s32 $0x400;
	v5 =	vor.u32 v1, v0;
	v0 =	vshll.u32 v2, $0x3;
	[sflag:s9] =	ssyncadd.s32 $0xFFFFFC00  }
0xb: {  	v6 =	vor.u32 v1, v0;
	[tilespmem:s3], [sflag:$0x1] =	stream.indirect.gather [hbm4b:s5+s3], $0x8, s6, s3, $0xb8;
	[tilespmem:$0x3800] =	vst v63  }
0xc: {  	s12 =	simm.s32 $0x20;
	_ =	swait.ge [sflag:s11], $0x2000  }
0xd: {  	v0 =	vmov s12;
	[sflag:s11] =	ssyncset.done $0x0  }
0xe: {  	v0 =	vshll.u32 v0, $0x3;
	[sflag:s11] =	ssyncadd.s32 $0xFFFFE000  }
0xf: {  	v0 =	vor.u32 v1, v0;
	v2 =	vld.idx.msk [tilespmem:v5+s3+$0x0], $0xffff  }
0x10: {  	v3 =	vor.u32 $0x1, v5;
	v4 =	vld.idx.msk [tilespmem:v6+s3+$0x0], $0xffff  }
0x11: {  	s13 =	simm.s32 $0x30;
	v7 =	vor.u32 $0x1, v6  }
0x12: {  	v8 =	vmov s13  }
0x13: {  	s14 =	simm.s32 $0x2400;
	v8 =	vshll.u32 v8, $0x3  }
0x14: {  	s15 =	simm.s32 $0x2410;
	v9 =	vld.idx.msk [tilespmem:v0+s3+$0x0], $0xffff;
	[tilespmem:s14+$0x0] =	vst v2;
	v2 =	vor.u32 v1, v8  }
0x15: {  	[tilespmem:s15+$0x0] =	vst v4;
	v4 =	vor.u32 $0x1, v0;
	v8 =	vld.idx.msk [tilespmem:v3+s3+$0x0], $0xffff  }
0x16: {  	s16 =	simm.s32 $0x40;
	v10 =	vor.u32 $0x2, v5;
	v7 =	vld.idx.msk [tilespmem:v7+s3+$0x0], $0xffff  }
0x17: {  	v11 =	vor.u32 $0x2, v6;
	v3 =	vmov s16  }
0x18: {  	s17 =	simm.s32 $0x2420;
	v3 =	vshll.u32 v3, $0x3  }
0x19: {  	s18 =	simm.s32 $0x2800;
	[tilespmem:s17+$0x0] =	vst v9;
	v3 =	vor.u32 v1, v3;
	v12 =	vld.idx.msk [tilespmem:v2+s3+$0x0], $0xffff  }
0x1a: {  	s19 =	simm.s32 $0x2810;
	v9 =	vor.u32 $0x1, v2;
	[tilespmem:s18+$0x0] =	vst v8;
	v8 =	vld.idx.msk [tilespmem:v4+s3+$0x0], $0xffff  }
0x1b: {  	s20 =	simm.s32 $0x50;
	[tilespmem:s19+$0x0] =	vst v7;
	v7 =	vor.u32 $0x2, v0;
	v10 =	vld.idx.msk [tilespmem:v10+s3+$0x0], $0xffff  }
0x1c: {  	v13 =	vor.u32 $0x3, v5;
	v4 =	vmov s20;
	v11 =	vld.idx.msk [tilespmem:v11+s3+$0x0], $0xffff  }
0x1d: {  	s21 =	simm.s32 $0x2430;
	v14 =	vor.u32 $0x3, v6;
	v4 =	vshll.u32 v4, $0x3  }
0x1e: {  	s22 =	simm.s32 $0x2820;
	v15 =	vld.idx.msk [tilespmem:v3+s3+$0x0], $0xffff;
	v4 =	vor.u32 v1, v4;
	[tilespmem:s21+$0x0] =	vst v12  }
0x1f: {  	s23 =	simm.s32 $0x2C00;
	v9 =	vld.idx.msk [tilespmem:v9+s3+$0x0], $0xffff;
	[tilespmem:s22+$0x0] =	vst v8;
	v8 =	vor.u32 $0x1, v3  }
0x20: {  	s24 =	simm.s32 $0x2C10;
	s25 =	simm.s32 $0x60;
	[tilespmem:s23+$0x0] =	vst v10;
	v7 =	vld.idx.msk [tilespmem:v7+s3+$0x0], $0xffff;
	v10 =	vor.u32 $0x2, v2  }
0x21: {  	v12 =	vor.u32 $0x3, v0;
	[tilespmem:s24+$0x0] =	vst v11;
	v11 =	vmov s25;
	v13 =	vld.idx.msk [tilespmem:v13+s3+$0x0], $0xffff  }
0x22: {  	s26 =	simm.s32 $0x2440;
	v16 =	vor.u32 $0x4, v5;
	v14 =	vld.idx.msk [tilespmem:v14+s3+$0x0], $0xffff;
	v5 =	vshll.u32 v11, $0x3  }
0x23: {  	s28 =	simm.s32 $0x2830;
	v17 =	vld.idx.msk [tilespmem:v4+s3+$0x0], $0xffff;
	[tilespmem:s26+$0x0] =	vst v15;
	v5 =	vor.u32 v1, v5  }
0x24: {  	s29 =	simm.s32 $0x2C20;
	v15 =	vor.u32 $0x1, v4;
	v8 =	vld.idx.msk [tilespmem:v8+s3+$0x0], $0xffff;
	[tilespmem:s28+$0x0] =	vst v9  }
0x25: {  	s30 =	simm.s32 $0x3000;
	v18 =	vor.u32 $0x2, v3;
	v10 =	vld.idx.msk [tilespmem:v10+s3+$0x0], $0xffff;
	[tilespmem:s29+$0x0] =	vst v7  }
0x26: {  	s31 =	simm.s32 $0x3010;
	v19 =	vor.u32 $0x3, v2;
	[tilespmem:s30+$0x0] =	vst v13;
	v20 =	vld.idx.msk [tilespmem:v12+s3+$0x0], $0xffff  }
0x27: {  	s10 =	simm.s32 $0x70;
	s9 =	simm.s32 $0x2450;
	[tilespmem:s31+$0x0] =	vst v14;
	v11 =	vld.idx.msk [tilespmem:v16+s3+$0x0], $0xffff  }
0x28: {  	s8 =	simm.s32 $0x2840;
	v12 =	vmov s10;
	[tilespmem:s9+$0x0] =	vst v17;
	v14 =	vor.u32 $0x4, v6;
	v16 =	vld.idx.msk [tilespmem:v5+s3+$0x0], $0xffff  }
0x29: {  	s7 =	simm.s32 $0x2C30;
	v9 =	vor.u32 $0x3, v3;
	v12 =	vshll.u32 v12, $0x3;
	v15 =	vld.idx.msk [tilespmem:v15+s3+$0x0], $0xffff;
	[tilespmem:s8+$0x0] =	vst v8  }
0x2a: {  	s6 =	simm.s32 $0x3020;
	v7 =	vor.u32 $0x3, v4;
	v17 =	vor.u32 $0x2, v4;
	v6 =	vor.u32 v1, v12;
	v13 =	vld.idx.msk [tilespmem:v18+s3+$0x0], $0xffff;
	[tilespmem:s7+$0x0] =	vst v10  }
0x2b: {  	s4 =	sadd.s32 $0x600, s4;
	s5 =	simm.s32 $0x3400;
	v8 =	vor.u32 $0x3, v5;
	v10 =	vor.u32 $0x3, v6;
	v18 =	vor.u32 $0x1, v5;
	v12 =	vld.idx.msk [tilespmem:v19+s3+$0x0], $0xffff;
	[tilespmem:s6+$0x0] =	vst v20  }
.LBB2_1:
0x2c: {  	s10 =	sadd.s32 $0x10, s10  }
0x2d: {  	[tilespmem:s5+$0x0] =	vst v11;
	v11 =	vld.idx.msk [tilespmem:v14+s3+$0x0], $0xffff;
	s5 =	sadd.s32 $0x10, s5;
	p0 =	slt.u32 s10, $0x3F0  }
.Ltmp0:
0x2e: {  	s9 =	sadd.s32 $0x10, s9;
	v14 =	vor.u32 $0x4, v0;
	v0 =	vmovc v2;
	v2 =	vmovc v3;
	v3 =	vmov v4;
	v19 =	vmov s10;
	(pc) =	sbr.rel @p0 .LBB2_1-.Ltmp0, $4  }
0x2f: {  	s8 =	sadd.s32 $0x10, s8;
	v4 =	vmov v5;
	v5 =	vmov v6;
	v19 =	vshll.u32 v19, $0x3;
	[tilespmem:s9+$0x0] =	vst v16;
	v16 =	vld.idx.msk [tilespmem:v6+s3+$0x0], $0xffff  }
0x30: {  	s7 =	sadd.s32 $0x10, s7;
	v6 =	vor.u32 v1, v19;
	[tilespmem:s8+$0x0] =	vst v15;
	v15 =	vld.idx.msk [tilespmem:v18+s3+$0x0], $0xffff  }
0x31: {  	s6 =	sadd.s32 $0x10, s6;
	v18 =	vor.u32 $0x1, v5;
	v19 =	vor.u32 $0x3, v6;
	[tilespmem:s7+$0x0] =	vst v13;
	v13 =	vld.idx.msk [tilespmem:v17+s3+$0x0], $0xffff  }
0x32: {  	v17 =	vor.u32 $0x2, v4;
	[tilespmem:s6+$0x0] =	vst v12;
	v12 =	vld.idx.msk [tilespmem:v9+s3+$0x0], $0xffff;
	v9 =	vmovc v7;
	v7 =	vmovc v8;
	v8 =	vmov v10;
	v10 =	vmov v19  }
0x33: {  	_ =	sdelay $0x3  }
0x34: {  	v1 =	vld.idx.msk [tilespmem:v6+s3+$0x0], $0xffff  }
0x35: {  	v19 =	vor.u32 $0x1, v6;
	_ =	sdelay $0x1  }
0x36: {  	s9 =	sadd.s32 $0x10, s9  }
0x37: {  	[tilespmem:s9+$0x0] =	vst v16;
	s9 =	sadd.s32 $0x10, s9  }
0x38: {  	v16 =	vld.idx.msk [tilespmem:v18+s3+$0x0], $0xffff;
	[tilespmem:s9+$0x0] =	vst v1  }
0x39: {  	v53 =	vor.u32 $0x2, v5;
	v54 =	vld.idx.msk [tilespmem:v19+s3+$0x0], $0xffff  }
0x3a: {  	v55 =	vor.u32 $0x2, v6  }
0x3b: {  	s8 =	sadd.s32 $0x10, s8  }
0x3c: {  	[tilespmem:s8+$0x0] =	vst v15;
	s8 =	sadd.s32 $0x10, s8  }
0x3d: {  	v15 =	vld.idx.msk [tilespmem:v17+s3+$0x0], $0xffff;
	[tilespmem:s8+$0x0] =	vst v16;
	s8 =	sadd.s32 $0x10, s8  }
0x3e: {  	v1 =	vld.idx.msk [tilespmem:v53+s3+$0x0], $0xffff;
	[tilespmem:s8+$0x0] =	vst v54  }
0x3f: {  	v56 =	vld.idx.msk [tilespmem:v55+s3+$0x0], $0xffff  }
0x40: {  	[tilespmem:s5+$0x0] =	vst v11;
	s7 =	sadd.s32 $0x10, s7  }
0x41: {  	v57 =	vld.idx.msk [tilespmem:v14+s3+$0x0], $0xffff;
	v0 =	vor.u32 $0x4, v0;
	[tilespmem:s7+$0x0] =	vst v13;
	s7 =	sadd.s32 $0x10, s7  }
0x42: {  	v2 =	vor.u32 $0x4, v2;
	v9 =	vld.idx.msk [tilespmem:v9+s3+$0x0], $0xffff;
	[tilespmem:s7+$0x0] =	vst v15;
	s7 =	sadd.s32 $0x10, s7  }
0x43: {  	v3 =	vor.u32 $0x4, v3;
	v7 =	vld.idx.msk [tilespmem:v7+s3+$0x0], $0xffff;
	[tilespmem:s7+$0x0] =	vst v1;
	s7 =	sadd.s32 $0x10, s7  }
0x44: {  	s6 =	sadd.s32 $0x10, s6;
	v4 =	vor.u32 $0x4, v4;
	v1 =	vld.idx.msk [tilespmem:v8+s3+$0x0], $0xffff;
	[tilespmem:s7+$0x0] =	vst v56  }
0x45: {  	s19 =	sadd.s32 $0x10, s5;
	v59 =	vor.u32 $0x4, v5;
	[tilespmem:s6+$0x0] =	vst v12;
	v58 =	vld.idx.msk [tilespmem:v10+s3+$0x0], $0xffff  }
0x46: {  	v60 =	vor.u32 $0x4, v6;
	s6 =	sadd.s32 $0x10, s6;
	v0 =	vld.idx.msk [tilespmem:v0+s3+$0x0], $0xffff;
	[tilespmem:s19+$0x0] =	vst v57  }
0x47: {  	v2 =	vld.idx.msk [tilespmem:v2+s3+$0x0], $0xffff;
	[tilespmem:s6+$0x0] =	vst v9;
	s6 =	sadd.s32 $0x10, s6  }
0x48: {  	v3 =	vld.idx.msk [tilespmem:v3+s3+$0x0], $0xffff;
	[tilespmem:s6+$0x0] =	vst v7;
	s6 =	sadd.s32 $0x10, s6  }
0x49: {  	v61 =	vld.idx.msk [tilespmem:v4+s3+$0x0], $0xffff;
	[tilespmem:s6+$0x0] =	vst v1;
	s6 =	sadd.s32 $0x10, s6  }
0x4a: {  	s5 =	sadd.s32 $0x10, s19;
	v62 =	vld.idx.msk [tilespmem:v59+s3+$0x0], $0xffff;
	[tilespmem:s6+$0x0] =	vst v58  }
0x4b: {  	[tilespmem:s5+$0x0] =	vst v0;
	s5 =	sadd.s32 $0x10, s5;
	v63 =	vld.idx.msk [tilespmem:v60+s3+$0x0], $0xffff  }
0x4c: {  	[tilespmem:s5+$0x0] =	vst v2;
	s20 =	sadd.s32 $0x10, s5  }
0x4d: {  	[tilespmem:s20+$0x0] =	vst v3;
	s3 =	sadd.s32 $0x10, s20  }
0x4e: {  	[tilespmem:s3+$0x0] =	vst v61;
	s3 =	sadd.s32 $0x10, s3  }
0x4f: {  	[tilespmem:s3+$0x0] =	vst v62;
	s3 =	sadd.s32 $0x10, s3  }
0x50: {  	s2 =	sadd.s32 s4, s2;
	s21 =	simm.s32 $0x0;
	s22 =	simm.s32 $0x2400;
	[tilespmem:s3+$0x0] =	vst v63  }
0x51: {  	[hbm4b:s2+s21] =	stream.linear.scatter [tilespmem:s22], [sflag:$0x1], $0x400, $0x38;
	[tilespmem:$0x3800] =	vst v63  }
0x52: {  	s24 =	simm.s32 $0x2800;
	s23 =	sadd.s32 $0x800, s2  }
0x53: {  	[hbm4b:s23+s21] =	stream.linear.scatter [tilespmem:s24], [sflag:$0x1], $0x400, $0x38;
	[tilespmem:$0x3800] =	vst v63  }
0x54: {  	s26 =	simm.s32 $0x2C00;
	s25 =	sadd.s32 $0x1000, s2  }
0x55: {  	[hbm4b:s25+s21] =	stream.linear.scatter [tilespmem:s26], [sflag:$0x1], $0x400, $0x38;
	[tilespmem:$0x3800] =	vst v63  }
0x56: {  	s29 =	simm.s32 $0x3000;
	s28 =	sadd.s32 $0x1800, s2  }
0x57: {  	[hbm4b:s28+s21] =	stream.linear.scatter [tilespmem:s29], [sflag:$0x1], $0x400, $0x38;
	[tilespmem:$0x3800] =	vst v63  }
0x58: {  	s30 =	simm.s32 $0x3400;
	s31 =	simm.s32 $0x1;
	s2 =	sadd.s32 $0x2000, s2  }
0x59: {  	[hbm4b:s2+s21] =	stream.linear.scatter [tilespmem:s30], [sflag:$0x1], $0x400, $0x38;
	[tilespmem:$0x3800] =	vst v63  }
0x5a: {  	_ =	swait.ge [sflag:s31], $0x400  }
0x5b: {  	[sflag:s31] =	ssyncset.done $0x0  }
0x5c: {  	[sflag:s31] =	ssyncadd.s32 $0xFFFFFC00  }
0x5d: {  	_ =	swait.ge [sflag:s31], $0x400  }
0x5e: {  	[sflag:s31] =	ssyncset.done $0x0  }
0x5f: {  	[sflag:s31] =	ssyncadd.s32 $0xFFFFFC00  }
0x60: {  	_ =	swait.ge [sflag:s31], $0x400  }
0x61: {  	[sflag:s31] =	ssyncset.done $0x0  }
0x62: {  	[sflag:s31] =	ssyncadd.s32 $0xFFFFFC00  }
0x63: {  	_ =	swait.ge [sflag:s31], $0x400  }
0x64: {  	[sflag:s31] =	ssyncset.done $0x0  }
0x65: {  	[sflag:s31] =	ssyncadd.s32 $0xFFFFFC00  }
0x66: {  	_ =	swait.ge [sflag:s31], $0x400  }
0x67: {  	[sflag:s31] =	ssyncset.done $0x0  }
0x68: {  	[sflag:s31] =	ssyncadd.s32 $0xFFFFFC00  }
0x69: {  	_ =	sfence.sel $0x180000  }
0x6a: {  	[bflag:$0x0] =	sbarrier.arrive $0xFFFF  }
0x6b: {  	p0 =	sne.s32 s1, $0x0;
	_ =	strace $0x90000047  }
0x6c: {  	s0 =	sadd.s32 @!p0 $0x100000, s0;
	[bflag:$0x2] =	sbarrier.arrive $0xFFFF  }
0x6d: {  	[sflag:s0] =	ssyncadd.tile.s32 @!p0 $0x1;
	_ =	shalt  }
.Lfunc_end2:
_tile_overlayer_lowered:
.L_overlay_start_2:
0x6e: {  	(tag) =	ssettag $0x2  }
0x6f: {  	s0 =	rddreg [dreg:$0x0];
	s2 =	stileid.u32  }
0x70: {  	s1 =	rddreg [dreg:$0x1];
	p0 =	sne.s32 s2, $0x0  }
0x71: {  	s3 =	rddreg [dreg:$0x2];
	[bflag:$0x3] =	sbarrier.arrive $0xFFFF;
	s2 =	simm.s32 @!p0 $0x1C02  }
0x72: {  	[timem:s3], [sflag:s2] =	dma.local @!p0 [hbm:s0], s1  }
0x73: {  	s0 =	simm.s32 @!p0 $0x2  }
0x74: {  	_ =	swait.ge @!p0 [sflag:s0], s1  }
0x75: {  	s1 =	ssub.s32 @!p0 $0x0, s1;
	[sflag:s0] =	ssyncset.done @!p0 $0x0  }
0x76: {  	[sflag:s0] =	ssyncadd.s32 @!p0 s1  }
0x77: {  	[bflag:$0x3] =	sbarrier.arrive $0xFFFF  }
0x78: {  	_ =	shalt  }

</sc_bundles>
